<compile_context>
chip_gen: v7x
topology: tpu7x:2x2x1
jax: 0.10.2.dev20260603
libtpu: 0.0.44.dev20260713+nightly
codegen_flags: <defaults>
</compile_context>

<pallas_src>
import jax
import jax.numpy as jnp
from jax.experimental import pallas as pl

B = 16384
NUM_EDGES = 36
NUM_NODES = 12
EDGE_DIM = 128
NODE_DIM = 128
BLK = 256


def _fused_kernel(ef_ref, bias_ref, awk_ref, w_ref, nb_ref,
                  node_ref, attn_ref):
    ef = ef_ref[...]
    lg = jnp.dot(ef, awk_ref[...],
                 preferred_element_type=jnp.float32)
    attn = jax.nn.sigmoid(lg + bias_ref[...])
    attn_ref[...] = attn
    ch = [ef[:, e * EDGE_DIM:(e + 1) * EDGE_DIM] * attn[:, e:e + 1]
          for e in range(NUM_EDGES)]
    groups = ([ch[6 * i] + ch[6 * i + 1] + ch[6 * i + 2]
               + ch[6 * i + 3] + ch[6 * i + 4] + ch[6 * i + 5]
               for i in range(6)]
              + [ch[j] + ch[6 + j] + ch[12 + j]
                 + ch[18 + j] + ch[24 + j] + ch[30 + j]
                 for j in range(6)])
    w = w_ref[...]
    nb = nb_ref[...]
    outs = [jnp.maximum(
        jnp.dot(g, w, preferred_element_type=jnp.float32) + nb, 0.0)
        for g in groups]
    node_ref[...] = jnp.concatenate(outs, axis=1)


def kernel(edge_feats, prior_w, attn_W, attn_b, e2n_W, e2n_b, edge_index):
    del edge_index
    ef2 = edge_feats.reshape(B, NUM_EDGES * EDGE_DIM)
    bias = (prior_w + attn_b).reshape(1, NUM_EDGES).astype(jnp.float32)
    awk = jnp.kron(jnp.eye(NUM_EDGES, dtype=jnp.float32),
                   attn_W.astype(jnp.float32))
    nb = e2n_b.reshape(1, NODE_DIM).astype(jnp.float32)
    grid = (B // BLK,)
    node2, edge_attn = pl.pallas_call(
        _fused_kernel,
        grid=grid,
        in_specs=[
            pl.BlockSpec((BLK, NUM_EDGES * EDGE_DIM), lambda i: (i, 0)),
            pl.BlockSpec((1, NUM_EDGES), lambda i: (0, 0)),
            pl.BlockSpec((NUM_EDGES * EDGE_DIM, NUM_EDGES), lambda i: (0, 0)),
            pl.BlockSpec((EDGE_DIM, NODE_DIM), lambda i: (0, 0)),
            pl.BlockSpec((1, NODE_DIM), lambda i: (0, 0)),
        ],
        out_specs=(
            pl.BlockSpec((BLK, NUM_NODES * NODE_DIM), lambda i: (i, 0)),
            pl.BlockSpec((BLK, NUM_EDGES), lambda i: (i, 0)),
        ),
        out_shape=(
            jax.ShapeDtypeStruct((B, NUM_NODES * NODE_DIM), jnp.float32),
            jax.ShapeDtypeStruct((B, NUM_EDGES), jnp.float32),
        ),
    )(ef2, bias, awk, e2n_W, nb)
    return (node2.reshape(B, NUM_NODES, NODE_DIM), edge_attn)

# --- scband reference (transcript-rebuilt; emitter-appended) ---
"""Pipeline reference for scband-bipartite-gnn-52510270161329 (READ-ONLY COPY).

The authoritative reference and input builder live on the scoring server;
editing this copy changes nothing except your own understanding.
"""

import jax, jax.numpy as jnp
import numpy as np

B = 16384
EDGE_DIM = 128
NODE_DIM = 128
NUM_NODES = 12
NUM_EDGES = 36


def _build_edges():
    edges = []
    for i in range(12):
        for j in range(i + 1, 12):
            if i < 6 and j >= 6:
                edges.append((i, j))
    assert len(edges) == NUM_EDGES
    return np.array(edges, dtype=np.int64)


def setup_inputs(seed: int = 0) -> dict:
    key = jax.random.key(seed)
    k1, k2, k3 = jax.random.split(key, 3)
    edge_feats = jax.random.normal(k1, (B, NUM_EDGES, EDGE_DIM), dtype=jnp.float32)
    # deterministic sensor coordinates (stand-in for SENSOR_COORDS global)
    rng = np.random.RandomState(42)
    coords = rng.randn(12, 3).astype(np.float32)
    edges = _build_edges()
    dist = np.linalg.norm(coords[edges[:, 0]] - coords[edges[:, 1]], axis=-1)
    prior_w = jnp.asarray(1.0 / (dist + 1e-08), dtype=jnp.float32)
    attn_W = jax.random.normal(k2, (EDGE_DIM, 1), dtype=jnp.float32) * (1.0 / np.sqrt(EDGE_DIM))
    attn_b = jnp.zeros((1,), dtype=jnp.float32)
    e2n_W = jax.random.normal(k3, (EDGE_DIM, NODE_DIM), dtype=jnp.float32) * (1.0 / np.sqrt(EDGE_DIM))
    e2n_b = jnp.zeros((NODE_DIM,), dtype=jnp.float32)
    edge_index = jnp.asarray(edges, dtype=jnp.int64)  # [36, 2]
    return {
        "edge_feats": edge_feats,
        "prior_w": prior_w,
        "attn_W": attn_W,
        "attn_b": attn_b,
        "e2n_W": e2n_W,
        "e2n_b": e2n_b,
        "edge_index": edge_index,
    }


def reference(edge_feats, prior_w, attn_W, attn_b, e2n_W, e2n_b, edge_index):
    # logits = Linear(edge_feats).squeeze(-1) + prior_w
    logits = (edge_feats @ attn_W + attn_b).squeeze(-1) + prior_w  # [B, 36]
    edge_attn = jax.nn.sigmoid(logits)  # independent per-edge attention
    weighted = edge_feats * edge_attn[..., None]  # [B, 36, D]
    u = edge_index[:, 0]
    v = edge_index[:, 1]
    node_feats = jnp.zeros((edge_feats.shape[0], NUM_NODES, edge_feats.shape[2]), dtype=edge_feats.dtype)
    node_feats = node_feats.at[:, u, :].add(weighted)  # scatter-add to left nodes
    node_feats = node_feats.at[:, v, :].add(weighted)  # scatter-add to right nodes
    node_feats = jax.nn.relu(node_feats @ e2n_W + e2n_b)  # [B, 12, node_dim]
    return (node_feats, edge_attn)

if __name__ == "__main__":
    import jax
    _d = setup_inputs()
    print(jax.jit(kernel)(*tuple(_d.values())))

</pallas_src>

<mosaic_0001>
module attributes {stable_mosaic.version = 14 : i64} {
  func.func @_fused_kernel(%arg0: i32, %arg1: memref<256x4608xf32, #tpu.memory_space<vmem>>, %arg2: memref<1x36xf32, #tpu.memory_space<vmem>>, %arg3: memref<4608x36xf32, #tpu.memory_space<vmem>>, %arg4: memref<128x128xf32, #tpu.memory_space<vmem>>, %arg5: memref<1x128xf32, #tpu.memory_space<vmem>>, %arg6: memref<256x1536xf32, #tpu.memory_space<vmem>>, %arg7: memref<256x36xf32, #tpu.memory_space<vmem>>) attributes {dimension_semantics = [#tpu.dimension_semantics<arbitrary>], iteration_bounds = array<i64: 64>, scalar_prefetch = 0 : i64, scratch_operands = 0 : i64, tpu.core_type = #tpu.core_type<tc>, window_params = [{transform_indices = @transform_0, window_bounds = array<i64: 256, 4608>}, {pipeline_mode = #tpu.pipeline_mode<synchronous>, transform_indices = @transform_1, window_bounds = array<i64: 1, 36>}, {pipeline_mode = #tpu.pipeline_mode<synchronous>, transform_indices = @transform_2, window_bounds = array<i64: 4608, 36>}, {pipeline_mode = #tpu.pipeline_mode<synchronous>, transform_indices = @transform_3, window_bounds = array<i64: 128, 128>}, {pipeline_mode = #tpu.pipeline_mode<synchronous>, transform_indices = @transform_4, window_bounds = array<i64: 1, 128>}, {transform_indices = @transform_5, window_bounds = array<i64: 256, 1536>}, {transform_indices = @transform_6, window_bounds = array<i64: 256, 36>}]} {
    %get3A = arith.constant 0 : index
    %get3A_0 = arith.constant 0 : index
    %get3A_1 = vector.load %arg1[%get3A, %get3A_0] : memref<256x4608xf32, #tpu.memory_space<vmem>>, vector<256x4608xf32>
    %get3A_2 = arith.constant 0 : index
    %get3A_3 = arith.constant 0 : index
    %get3A_4 = vector.load %arg3[%get3A_2, %get3A_3] : memref<4608x36xf32, #tpu.memory_space<vmem>>, vector<4608x36xf32>
    %dot_general3A = arith.constant dense<0.000000e+00> : vector<256x36xf32>
    %dot_general3A_5 = tpu.matmul %get3A_1, %get3A_4, %dot_general3A {dimension_numbers = #tpu.dot_dimension_numbers<[1], [0], [0], [1], [0, 0, 1, 1], [], []>, transpose_lhs_hint = false} : vector<256x4608xf32>, vector<4608x36xf32>, vector<256x36xf32> -> vector<256x36xf32>
    %get3A_6 = arith.constant 0 : index
    %get3A_7 = arith.constant 0 : index
    %get3A_8 = vector.load %arg2[%get3A_6, %get3A_7] : memref<1x36xf32, #tpu.memory_space<vmem>>, vector<1x36xf32>
    %add3A = vector.broadcast %get3A_8 : vector<1x36xf32> to vector<256x36xf32>
    %add3A_9 = arith.addf %dot_general3A_5, %add3A : vector<256x36xf32>
    %logistic3A = arith.negf %add3A_9 : vector<256x36xf32>
    %logistic3A_10 = math.exp %logistic3A : vector<256x36xf32>
    %logistic3A_11 = arith.constant 1.000000e+00 : f32
    %logistic3A_12 = vector.broadcast %logistic3A_11 : f32 to vector<256x36xf32>
    %logistic3A_13 = arith.addf %logistic3A_12, %logistic3A_10 : vector<256x36xf32>
    %logistic3A_14 = arith.divf %logistic3A_12, %logistic3A_13 : vector<256x36xf32>
    %swap3A = arith.constant 0 : index
    %swap3A_15 = arith.constant 0 : index
    %swap3A_16 = vector.load %arg7[%swap3A, %swap3A_15] : memref<256x36xf32, #tpu.memory_space<vmem>>, vector<256x36xf32>
    tpu.vector_store %arg7[%swap3A, %swap3A_15], %logistic3A_14 {strides = array<i32>} : memref<256x36xf32, #tpu.memory_space<vmem>>, vector<256x36xf32>,
    %slice3A = vector.extract_strided_slice %get3A_1 {offsets = [0, 0], sizes = [256, 128], strides = [1, 1]} : vector<256x4608xf32> to vector<256x128xf32>
    %slice3A_17 = vector.extract_strided_slice %logistic3A_14 {offsets = [0, 0], sizes = [256, 1], strides = [1, 1]} : vector<256x36xf32> to vector<256x1xf32>
    %mul3A = vector.broadcast %slice3A_17 : vector<256x1xf32> to vector<256x128xf32>
    %mul3A_18 = arith.mulf %slice3A, %mul3A : vector<256x128xf32>
    %slice3A_19 = vector.extract_strided_slice %get3A_1 {offsets = [0, 128], sizes = [256, 128], strides = [1, 1]} : vector<256x4608xf32> to vector<256x128xf32>
    %slice3A_20 = vector.extract_strided_slice %logistic3A_14 {offsets = [0, 1], sizes = [256, 1], strides = [1, 1]} : vector<256x36xf32> to vector<256x1xf32>
    %mul3A_21 = vector.broadcast %slice3A_20 : vector<256x1xf32> to vector<256x128xf32>
    %mul3A_22 = arith.mulf %slice3A_19, %mul3A_21 : vector<256x128xf32>
    %slice3A_23 = vector.extract_strided_slice %get3A_1 {offsets = [0, 256], sizes = [256, 128], strides = [1, 1]} : vector<256x4608xf32> to vector<256x128xf32>
    %slice3A_24 = vector.extract_strided_slice %logistic3A_14 {offsets = [0, 2], sizes = [256, 1], strides = [1, 1]} : vector<256x36xf32> to vector<256x1xf32>
    %mul3A_25 = vector.broadcast %slice3A_24 : vector<256x1xf32> to vector<256x128xf32>
    %mul3A_26 = arith.mulf %slice3A_23, %mul3A_25 : vector<256x128xf32>
    %slice3A_27 = vector.extract_strided_slice %get3A_1 {offsets = [0, 384], sizes = [256, 128], strides = [1, 1]} : vector<256x4608xf32> to vector<256x128xf32>
    %slice3A_28 = vector.extract_strided_slice %logistic3A_14 {offsets = [0, 3], sizes = [256, 1], strides = [1, 1]} : vector<256x36xf32> to vector<256x1xf32>
    %mul3A_29 = vector.broadcast %slice3A_28 : vector<256x1xf32> to vector<256x128xf32>
    %mul3A_30 = arith.mulf %slice3A_27, %mul3A_29 : vector<256x128xf32>
    %slice3A_31 = vector.extract_strided_slice %get3A_1 {offsets = [0, 512], sizes = [256, 128], strides = [1, 1]} : vector<256x4608xf32> to vector<256x128xf32>
    %slice3A_32 = vector.extract_strided_slice %logistic3A_14 {offsets = [0, 4], sizes = [256, 1], strides = [1, 1]} : vector<256x36xf32> to vector<256x1xf32>
    %mul3A_33 = vector.broadcast %slice3A_32 : vector<256x1xf32> to vector<256x128xf32>
    %mul3A_34 = arith.mulf %slice3A_31, %mul3A_33 : vector<256x128xf32>
    %slice3A_35 = vector.extract_strided_slice %get3A_1 {offsets = [0, 640], sizes = [256, 128], strides = [1, 1]} : vector<256x4608xf32> to vector<256x128xf32>
    %slice3A_36 = vector.extract_strided_slice %logistic3A_14 {offsets = [0, 5], sizes = [256, 1], strides = [1, 1]} : vector<256x36xf32> to vector<256x1xf32>
    %mul3A_37 = vector.broadcast %slice3A_36 : vector<256x1xf32> to vector<256x128xf32>
    %mul3A_38 = arith.mulf %slice3A_35, %mul3A_37 : vector<256x128xf32>
    %slice3A_39 = vector.extract_strided_slice %get3A_1 {offsets = [0, 768], sizes = [256, 128], strides = [1, 1]} : vector<256x4608xf32> to vector<256x128xf32>
    %slice3A_40 = vector.extract_strided_slice %logistic3A_14 {offsets = [0, 6], sizes = [256, 1], strides = [1, 1]} : vector<256x36xf32> to vector<256x1xf32>
    %mul3A_41 = vector.broadcast %slice3A_40 : vector<256x1xf32> to vector<256x128xf32>
    %mul3A_42 = arith.mulf %slice3A_39, %mul3A_41 : vector<256x128xf32>
    %slice3A_43 = vector.extract_strided_slice %get3A_1 {offsets = [0, 896], sizes = [256, 128], strides = [1, 1]} : vector<256x4608xf32> to vector<256x128xf32>
    %slice3A_44 = vector.extract_strided_slice %logistic3A_14 {offsets = [0, 7], sizes = [256, 1], strides = [1, 1]} : vector<256x36xf32> to vector<256x1xf32>
    %mul3A_45 = vector.broadcast %slice3A_44 : vector<256x1xf32> to vector<256x128xf32>
    %mul3A_46 = arith.mulf %slice3A_43, %mul3A_45 : vector<256x128xf32>
    %slice3A_47 = vector.extract_strided_slice %get3A_1 {offsets = [0, 1024], sizes = [256, 128], strides = [1, 1]} : vector<256x4608xf32> to vector<256x128xf32>
    %slice3A_48 = vector.extract_strided_slice %logistic3A_14 {offsets = [0, 8], sizes = [256, 1], strides = [1, 1]} : vector<256x36xf32> to vector<256x1xf32>
    %mul3A_49 = vector.broadcast %slice3A_48 : vector<256x1xf32> to vector<256x128xf32>
    %mul3A_50 = arith.mulf %slice3A_47, %mul3A_49 : vector<256x128xf32>
    %slice3A_51 = vector.extract_strided_slice %get3A_1 {offsets = [0, 1152], sizes = [256, 128], strides = [1, 1]} : vector<256x4608xf32> to vector<256x128xf32>
    %slice3A_52 = vector.extract_strided_slice %logistic3A_14 {offsets = [0, 9], sizes = [256, 1], strides = [1, 1]} : vector<256x36xf32> to vector<256x1xf32>
    %mul3A_53 = vector.broadcast %slice3A_52 : vector<256x1xf32> to vector<256x128xf32>
    %mul3A_54 = arith.mulf %slice3A_51, %mul3A_53 : vector<256x128xf32>
    %slice3A_55 = vector.extract_strided_slice %get3A_1 {offsets = [0, 1280], sizes = [256, 128], strides = [1, 1]} : vector<256x4608xf32> to vector<256x128xf32>
    %slice3A_56 = vector.extract_strided_slice %logistic3A_14 {offsets = [0, 10], sizes = [256, 1], strides = [1, 1]} : vector<256x36xf32> to vector<256x1xf32>
    %mul3A_57 = vector.broadcast %slice3A_56 : vector<256x1xf32> to vector<256x128xf32>
    %mul3A_58 = arith.mulf %slice3A_55, %mul3A_57 : vector<256x128xf32>
    %slice3A_59 = vector.extract_strided_slice %get3A_1 {offsets = [0, 1408], sizes = [256, 128], strides = [1, 1]} : vector<256x4608xf32> to vector<256x128xf32>
    %slice3A_60 = vector.extract_strided_slice %logistic3A_14 {offsets = [0, 11], sizes = [256, 1], strides = [1, 1]} : vector<256x36xf32> to vector<256x1xf32>
    %mul3A_61 = vector.broadcast %slice3A_60 : vector<256x1xf32> to vector<256x128xf32>
    %mul3A_62 = arith.mulf %slice3A_59, %mul3A_61 : vector<256x128xf32>
    %slice3A_63 = vector.extract_strided_slice %get3A_1 {offsets = [0, 1536], sizes = [256, 128], strides = [1, 1]} : vector<256x4608xf32> to vector<256x128xf32>
    %slice3A_64 = vector.extract_strided_slice %logistic3A_14 {offsets = [0, 12], sizes = [256, 1], strides = [1, 1]} : vector<256x36xf32> to vector<256x1xf32>
    %mul3A_65 = vector.broadcast %slice3A_64 : vector<256x1xf32> to vector<256x128xf32>
    %mul3A_66 = arith.mulf %slice3A_63, %mul3A_65 : vector<256x128xf32>
    %slice3A_67 = vector.extract_strided_slice %get3A_1 {offsets = [0, 1664], sizes = [256, 128], strides = [1, 1]} : vector<256x4608xf32> to vector<256x128xf32>
    %slice3A_68 = vector.extract_strided_slice %logistic3A_14 {offsets = [0, 13], sizes = [256, 1], strides = [1, 1]} : vector<256x36xf32> to vector<256x1xf32>
    %mul3A_69 = vector.broadcast %slice3A_68 : vector<256x1xf32> to vector<256x128xf32>
    %mul3A_70 = arith.mulf %slice3A_67, %mul3A_69 : vector<256x128xf32>
    %slice3A_71 = vector.extract_strided_slice %get3A_1 {offsets = [0, 1792], sizes = [256, 128], strides = [1, 1]} : vector<256x4608xf32> to vector<256x128xf32>
    %slice3A_72 = vector.extract_strided_slice %logistic3A_14 {offsets = [0, 14], sizes = [256, 1], strides = [1, 1]} : vector<256x36xf32> to vector<256x1xf32>
    %mul3A_73 = vector.broadcast %slice3A_72 : vector<256x1xf32> to vector<256x128xf32>
    %mul3A_74 = arith.mulf %slice3A_71, %mul3A_73 : vector<256x128xf32>
    %slice3A_75 = vector.extract_strided_slice %get3A_1 {offsets = [0, 1920], sizes = [256, 128], strides = [1, 1]} : vector<256x4608xf32> to vector<256x128xf32>
    %slice3A_76 = vector.extract_strided_slice %logistic3A_14 {offsets = [0, 15], sizes = [256, 1], strides = [1, 1]} : vector<256x36xf32> to vector<256x1xf32>
    %mul3A_77 = vector.broadcast %slice3A_76 : vector<256x1xf32> to vector<256x128xf32>
    %mul3A_78 = arith.mulf %slice3A_75, %mul3A_77 : vector<256x128xf32>
    %slice3A_79 = vector.extract_strided_slice %get3A_1 {offsets = [0, 2048], sizes = [256, 128], strides = [1, 1]} : vector<256x4608xf32> to vector<256x128xf32>
    %slice3A_80 = vector.extract_strided_slice %logistic3A_14 {offsets = [0, 16], sizes = [256, 1], strides = [1, 1]} : vector<256x36xf32> to vector<256x1xf32>
    %mul3A_81 = vector.broadcast %slice3A_80 : vector<256x1xf32> to vector<256x128xf32>
    %mul3A_82 = arith.mulf %slice3A_79, %mul3A_81 : vector<256x128xf32>
    %slice3A_83 = vector.extract_strided_slice %get3A_1 {offsets = [0, 2176], sizes = [256, 128], strides = [1, 1]} : vector<256x4608xf32> to vector<256x128xf32>
    %slice3A_84 = vector.extract_strided_slice %logistic3A_14 {offsets = [0, 17], sizes = [256, 1], strides = [1, 1]} : vector<256x36xf32> to vector<256x1xf32>
    %mul3A_85 = vector.broadcast %slice3A_84 : vector<256x1xf32> to vector<256x128xf32>
    %mul3A_86 = arith.mulf %slice3A_83, %mul3A_85 : vector<256x128xf32>
    %slice3A_87 = vector.extract_strided_slice %get3A_1 {offsets = [0, 2304], sizes = [256, 128], strides = [1, 1]} : vector<256x4608xf32> to vector<256x128xf32>
    %slice3A_88 = vector.extract_strided_slice %logistic3A_14 {offsets = [0, 18], sizes = [256, 1], strides = [1, 1]} : vector<256x36xf32> to vector<256x1xf32>
    %mul3A_89 = vector.broadcast %slice3A_88 : vector<256x1xf32> to vector<256x128xf32>
    %mul3A_90 = arith.mulf %slice3A_87, %mul3A_89 : vector<256x128xf32>
    %slice3A_91 = vector.extract_strided_slice %get3A_1 {offsets = [0, 2432], sizes = [256, 128], strides = [1, 1]} : vector<256x4608xf32> to vector<256x128xf32>
    %slice3A_92 = vector.extract_strided_slice %logistic3A_14 {offsets = [0, 19], sizes = [256, 1], strides = [1, 1]} : vector<256x36xf32> to vector<256x1xf32>
    %mul3A_93 = vector.broadcast %slice3A_92 : vector<256x1xf32> to vector<256x128xf32>
    %mul3A_94 = arith.mulf %slice3A_91, %mul3A_93 : vector<256x128xf32>
    %slice3A_95 = vector.extract_strided_slice %get3A_1 {offsets = [0, 2560], sizes = [256, 128], strides = [1, 1]} : vector<256x4608xf32> to vector<256x128xf32>
    %slice3A_96 = vector.extract_strided_slice %logistic3A_14 {offsets = [0, 20], sizes = [256, 1], strides = [1, 1]} : vector<256x36xf32> to vector<256x1xf32>
    %mul3A_97 = vector.broadcast %slice3A_96 : vector<256x1xf32> to vector<256x128xf32>
    %mul3A_98 = arith.mulf %slice3A_95, %mul3A_97 : vector<256x128xf32>
    %slice3A_99 = vector.extract_strided_slice %get3A_1 {offsets = [0, 2688], sizes = [256, 128], strides = [1, 1]} : vector<256x4608xf32> to vector<256x128xf32>
    %slice3A_100 = vector.extract_strided_slice %logistic3A_14 {offsets = [0, 21], sizes = [256, 1], strides = [1, 1]} : vector<256x36xf32> to vector<256x1xf32>
    %mul3A_101 = vector.broadcast %slice3A_100 : vector<256x1xf32> to vector<256x128xf32>
    %mul3A_102 = arith.mulf %slice3A_99, %mul3A_101 : vector<256x128xf32>
    %slice3A_103 = vector.extract_strided_slice %get3A_1 {offsets = [0, 2816], sizes = [256, 128], strides = [1, 1]} : vector<256x4608xf32> to vector<256x128xf32>
    %slice3A_104 = vector.extract_strided_slice %logistic3A_14 {offsets = [0, 22], sizes = [256, 1], strides = [1, 1]} : vector<256x36xf32> to vector<256x1xf32>
    %mul3A_105 = vector.broadcast %slice3A_104 : vector<256x1xf32> to vector<256x128xf32>
    %mul3A_106 = arith.mulf %slice3A_103, %mul3A_105 : vector<256x128xf32>
    %slice3A_107 = vector.extract_strided_slice %get3A_1 {offsets = [0, 2944], sizes = [256, 128], strides = [1, 1]} : vector<256x4608xf32> to vector<256x128xf32>
    %slice3A_108 = vector.extract_strided_slice %logistic3A_14 {offsets = [0, 23], sizes = [256, 1], strides = [1, 1]} : vector<256x36xf32> to vector<256x1xf32>
    %mul3A_109 = vector.broadcast %slice3A_108 : vector<256x1xf32> to vector<256x128xf32>
    %mul3A_110 = arith.mulf %slice3A_107, %mul3A_109 : vector<256x128xf32>
    %slice3A_111 = vector.extract_strided_slice %get3A_1 {offsets = [0, 3072], sizes = [256, 128], strides = [1, 1]} : vector<256x4608xf32> to vector<256x128xf32>
    %slice3A_112 = vector.extract_strided_slice %logistic3A_14 {offsets = [0, 24], sizes = [256, 1], strides = [1, 1]} : vector<256x36xf32> to vector<256x1xf32>
    %mul3A_113 = vector.broadcast %slice3A_112 : vector<256x1xf32> to vector<256x128xf32>
    %mul3A_114 = arith.mulf %slice3A_111, %mul3A_113 : vector<256x128xf32>
    %slice3A_115 = vector.extract_strided_slice %get3A_1 {offsets = [0, 3200], sizes = [256, 128], strides = [1, 1]} : vector<256x4608xf32> to vector<256x128xf32>
    %slice3A_116 = vector.extract_strided_slice %logistic3A_14 {offsets = [0, 25], sizes = [256, 1], strides = [1, 1]} : vector<256x36xf32> to vector<256x1xf32>
    %mul3A_117 = vector.broadcast %slice3A_116 : vector<256x1xf32> to vector<256x128xf32>
    %mul3A_118 = arith.mulf %slice3A_115, %mul3A_117 : vector<256x128xf32>
    %slice3A_119 = vector.extract_strided_slice %get3A_1 {offsets = [0, 3328], sizes = [256, 128], strides = [1, 1]} : vector<256x4608xf32> to vector<256x128xf32>
    %slice3A_120 = vector.extract_strided_slice %logistic3A_14 {offsets = [0, 26], sizes = [256, 1], strides = [1, 1]} : vector<256x36xf32> to vector<256x1xf32>
    %mul3A_121 = vector.broadcast %slice3A_120 : vector<256x1xf32> to vector<256x128xf32>
    %mul3A_122 = arith.mulf %slice3A_119, %mul3A_121 : vector<256x128xf32>
    %slice3A_123 = vector.extract_strided_slice %get3A_1 {offsets = [0, 3456], sizes = [256, 128], strides = [1, 1]} : vector<256x4608xf32> to vector<256x128xf32>
    %slice3A_124 = vector.extract_strided_slice %logistic3A_14 {offsets = [0, 27], sizes = [256, 1], strides = [1, 1]} : vector<256x36xf32> to vector<256x1xf32>
    %mul3A_125 = vector.broadcast %slice3A_124 : vector<256x1xf32> to vector<256x128xf32>
    %mul3A_126 = arith.mulf %slice3A_123, %mul3A_125 : vector<256x128xf32>
    %slice3A_127 = vector.extract_strided_slice %get3A_1 {offsets = [0, 3584], sizes = [256, 128], strides = [1, 1]} : vector<256x4608xf32> to vector<256x128xf32>
    %slice3A_128 = vector.extract_strided_slice %logistic3A_14 {offsets = [0, 28], sizes = [256, 1], strides = [1, 1]} : vector<256x36xf32> to vector<256x1xf32>
    %mul3A_129 = vector.broadcast %slice3A_128 : vector<256x1xf32> to vector<256x128xf32>
    %mul3A_130 = arith.mulf %slice3A_127, %mul3A_129 : vector<256x128xf32>
    %slice3A_131 = vector.extract_strided_slice %get3A_1 {offsets = [0, 3712], sizes = [256, 128], strides = [1, 1]} : vector<256x4608xf32> to vector<256x128xf32>
    %slice3A_132 = vector.extract_strided_slice %logistic3A_14 {offsets = [0, 29], sizes = [256, 1], strides = [1, 1]} : vector<256x36xf32> to vector<256x1xf32>
    %mul3A_133 = vector.broadcast %slice3A_132 : vector<256x1xf32> to vector<256x128xf32>
    %mul3A_134 = arith.mulf %slice3A_131, %mul3A_133 : vector<256x128xf32>
    %slice3A_135 = vector.extract_strided_slice %get3A_1 {offsets = [0, 3840], sizes = [256, 128], strides = [1, 1]} : vector<256x4608xf32> to vector<256x128xf32>
    %slice3A_136 = vector.extract_strided_slice %logistic3A_14 {offsets = [0, 30], sizes = [256, 1], strides = [1, 1]} : vector<256x36xf32> to vector<256x1xf32>
    %mul3A_137 = vector.broadcast %slice3A_136 : vector<256x1xf32> to vector<256x128xf32>
    %mul3A_138 = arith.mulf %slice3A_135, %mul3A_137 : vector<256x128xf32>
    %slice3A_139 = vector.extract_strided_slice %get3A_1 {offsets = [0, 3968], sizes = [256, 128], strides = [1, 1]} : vector<256x4608xf32> to vector<256x128xf32>
    %slice3A_140 = vector.extract_strided_slice %logistic3A_14 {offsets = [0, 31], sizes = [256, 1], strides = [1, 1]} : vector<256x36xf32> to vector<256x1xf32>
    %mul3A_141 = vector.broadcast %slice3A_140 : vector<256x1xf32> to vector<256x128xf32>
    %mul3A_142 = arith.mulf %slice3A_139, %mul3A_141 : vector<256x128xf32>
    %slice3A_143 = vector.extract_strided_slice %get3A_1 {offsets = [0, 4096], sizes = [256, 128], strides = [1, 1]} : vector<256x4608xf32> to vector<256x128xf32>
    %slice3A_144 = vector.extract_strided_slice %logistic3A_14 {offsets = [0, 32], sizes = [256, 1], strides = [1, 1]} : vector<256x36xf32> to vector<256x1xf32>
    %mul3A_145 = vector.broadcast %slice3A_144 : vector<256x1xf32> to vector<256x128xf32>
    %mul3A_146 = arith.mulf %slice3A_143, %mul3A_145 : vector<256x128xf32>
    %slice3A_147 = vector.extract_strided_slice %get3A_1 {offsets = [0, 4224], sizes = [256, 128], strides = [1, 1]} : vector<256x4608xf32> to vector<256x128xf32>
    %slice3A_148 = vector.extract_strided_slice %logistic3A_14 {offsets = [0, 33], sizes = [256, 1], strides = [1, 1]} : vector<256x36xf32> to vector<256x1xf32>
    %mul3A_149 = vector.broadcast %slice3A_148 : vector<256x1xf32> to vector<256x128xf32>
    %mul3A_150 = arith.mulf %slice3A_147, %mul3A_149 : vector<256x128xf32>
    %slice3A_151 = vector.extract_strided_slice %get3A_1 {offsets = [0, 4352], sizes = [256, 128], strides = [1, 1]} : vector<256x4608xf32> to vector<256x128xf32>
    %slice3A_152 = vector.extract_strided_slice %logistic3A_14 {offsets = [0, 34], sizes = [256, 1], strides = [1, 1]} : vector<256x36xf32> to vector<256x1xf32>
    %mul3A_153 = vector.broadcast %slice3A_152 : vector<256x1xf32> to vector<256x128xf32>
    %mul3A_154 = arith.mulf %slice3A_151, %mul3A_153 : vector<256x128xf32>
    %slice3A_155 = vector.extract_strided_slice %get3A_1 {offsets = [0, 4480], sizes = [256, 128], strides = [1, 1]} : vector<256x4608xf32> to vector<256x128xf32>
    %slice3A_156 = vector.extract_strided_slice %logistic3A_14 {offsets = [0, 35], sizes = [256, 1], strides = [1, 1]} : vector<256x36xf32> to vector<256x1xf32>
    %mul3A_157 = vector.broadcast %slice3A_156 : vector<256x1xf32> to vector<256x128xf32>
    %mul3A_158 = arith.mulf %slice3A_155, %mul3A_157 : vector<256x128xf32>
    %add3A_159 = arith.addf %mul3A_18, %mul3A_22 : vector<256x128xf32>
    %add3A_160 = arith.addf %add3A_159, %mul3A_26 : vector<256x128xf32>
    %add3A_161 = arith.addf %add3A_160, %mul3A_30 : vector<256x128xf32>
    %add3A_162 = arith.addf %add3A_161, %mul3A_34 : vector<256x128xf32>
    %add3A_163 = arith.addf %add3A_162, %mul3A_38 : vector<256x128xf32>
    %add3A_164 = arith.addf %mul3A_42, %mul3A_46 : vector<256x128xf32>
    %add3A_165 = arith.addf %add3A_164, %mul3A_50 : vector<256x128xf32>
    %add3A_166 = arith.addf %add3A_165, %mul3A_54 : vector<256x128xf32>
    %add3A_167 = arith.addf %add3A_166, %mul3A_58 : vector<256x128xf32>
    %add3A_168 = arith.addf %add3A_167, %mul3A_62 : vector<256x128xf32>
    %add3A_169 = arith.addf %mul3A_66, %mul3A_70 : vector<256x128xf32>
    %add3A_170 = arith.addf %add3A_169, %mul3A_74 : vector<256x128xf32>
    %add3A_171 = arith.addf %add3A_170, %mul3A_78 : vector<256x128xf32>
    %add3A_172 = arith.addf %add3A_171, %mul3A_82 : vector<256x128xf32>
    %add3A_173 = arith.addf %add3A_172, %mul3A_86 : vector<256x128xf32>
    %add3A_174 = arith.addf %mul3A_90, %mul3A_94 : vector<256x128xf32>
    %add3A_175 = arith.addf %add3A_174, %mul3A_98 : vector<256x128xf32>
    %add3A_176 = arith.addf %add3A_175, %mul3A_102 : vector<256x128xf32>
    %add3A_177 = arith.addf %add3A_176, %mul3A_106 : vector<256x128xf32>
    %add3A_178 = arith.addf %add3A_177, %mul3A_110 : vector<256x128xf32>
    %add3A_179 = arith.addf %mul3A_114, %mul3A_118 : vector<256x128xf32>
    %add3A_180 = arith.addf %add3A_179, %mul3A_122 : vector<256x128xf32>
    %add3A_181 = arith.addf %add3A_180, %mul3A_126 : vector<256x128xf32>
    %add3A_182 = arith.addf %add3A_181, %mul3A_130 : vector<256x128xf32>
    %add3A_183 = arith.addf %add3A_182, %mul3A_134 : vector<256x128xf32>
    %add3A_184 = arith.addf %mul3A_138, %mul3A_142 : vector<256x128xf32>
    %add3A_185 = arith.addf %add3A_184, %mul3A_146 : vector<256x128xf32>
    %add3A_186 = arith.addf %add3A_185, %mul3A_150 : vector<256x128xf32>
    %add3A_187 = arith.addf %add3A_186, %mul3A_154 : vector<256x128xf32>
    %add3A_188 = arith.addf %add3A_187, %mul3A_158 : vector<256x128xf32>
    %add3A_189 = arith.addf %mul3A_18, %mul3A_42 : vector<256x128xf32>
    %add3A_190 = arith.addf %add3A_189, %mul3A_66 : vector<256x128xf32>
    %add3A_191 = arith.addf %add3A_190, %mul3A_90 : vector<256x128xf32>
    %add3A_192 = arith.addf %add3A_191, %mul3A_114 : vector<256x128xf32>
    %add3A_193 = arith.addf %add3A_192, %mul3A_138 : vector<256x128xf32>
    %add3A_194 = arith.addf %mul3A_22, %mul3A_46 : vector<256x128xf32>
    %add3A_195 = arith.addf %add3A_194, %mul3A_70 : vector<256x128xf32>
    %add3A_196 = arith.addf %add3A_195, %mul3A_94 : vector<256x128xf32>
    %add3A_197 = arith.addf %add3A_196, %mul3A_118 : vector<256x128xf32>
    %add3A_198 = arith.addf %add3A_197, %mul3A_142 : vector<256x128xf32>
    %add3A_199 = arith.addf %mul3A_26, %mul3A_50 : vector<256x128xf32>
    %add3A_200 = arith.addf %add3A_199, %mul3A_74 : vector<256x128xf32>
    %add3A_201 = arith.addf %add3A_200, %mul3A_98 : vector<256x128xf32>
    %add3A_202 = arith.addf %add3A_201, %mul3A_122 : vector<256x128xf32>
    %add3A_203 = arith.addf %add3A_202, %mul3A_146 : vector<256x128xf32>
    %add3A_204 = arith.addf %mul3A_30, %mul3A_54 : vector<256x128xf32>
    %add3A_205 = arith.addf %add3A_204, %mul3A_78 : vector<256x128xf32>
    %add3A_206 = arith.addf %add3A_205, %mul3A_102 : vector<256x128xf32>
    %add3A_207 = arith.addf %add3A_206, %mul3A_126 : vector<256x128xf32>
    %add3A_208 = arith.addf %add3A_207, %mul3A_150 : vector<256x128xf32>
    %add3A_209 = arith.addf %mul3A_34, %mul3A_58 : vector<256x128xf32>
    %add3A_210 = arith.addf %add3A_209, %mul3A_82 : vector<256x128xf32>
    %add3A_211 = arith.addf %add3A_210, %mul3A_106 : vector<256x128xf32>
    %add3A_212 = arith.addf %add3A_211, %mul3A_130 : vector<256x128xf32>
    %add3A_213 = arith.addf %add3A_212, %mul3A_154 : vector<256x128xf32>
    %add3A_214 = arith.addf %mul3A_38, %mul3A_62 : vector<256x128xf32>
    %add3A_215 = arith.addf %add3A_214, %mul3A_86 : vector<256x128xf32>
    %add3A_216 = arith.addf %add3A_215, %mul3A_110 : vector<256x128xf32>
    %add3A_217 = arith.addf %add3A_216, %mul3A_134 : vector<256x128xf32>
    %add3A_218 = arith.addf %add3A_217, %mul3A_158 : vector<256x128xf32>
    %get3A_219 = arith.constant 0 : index
    %get3A_220 = arith.constant 0 : index
    %get3A_221 = vector.load %arg4[%get3A_219, %get3A_220] : memref<128x128xf32, #tpu.memory_space<vmem>>, vector<128x128xf32>
    %get3A_222 = arith.constant 0 : index
    %get3A_223 = arith.constant 0 : index
    %get3A_224 = vector.load %arg5[%get3A_222, %get3A_223] : memref<1x128xf32, #tpu.memory_space<vmem>>, vector<1x128xf32>
    %dot_general3A_225 = arith.constant dense<0.000000e+00> : vector<256x128xf32>
    %dot_general3A_226 = tpu.matmul %add3A_163, %get3A_221, %dot_general3A_225 {dimension_numbers = #tpu.dot_dimension_numbers<[1], [0], [0], [1], [0, 0, 1, 1], [], []>, transpose_lhs_hint = false} : vector<256x128xf32>, vector<128x128xf32>, vector<256x128xf32> -> vector<256x128xf32>
    %add3A_227 = vector.broadcast %get3A_224 : vector<1x128xf32> to vector<256x128xf32>
    %add3A_228 = arith.addf %dot_general3A_226, %add3A_227 : vector<256x128xf32>
    %max3A = arith.constant 0.000000e+00 : f32
    %max3A_229 = vector.broadcast %max3A : f32 to vector<256x128xf32>
    %max3A_230 = arith.maximumf %add3A_228, %max3A_229 : vector<256x128xf32>
    %dot_general3A_231 = arith.constant dense<0.000000e+00> : vector<256x128xf32>
    %dot_general3A_232 = tpu.matmul %add3A_168, %get3A_221, %dot_general3A_231 {dimension_numbers = #tpu.dot_dimension_numbers<[1], [0], [0], [1], [0, 0, 1, 1], [], []>, transpose_lhs_hint = false} : vector<256x128xf32>, vector<128x128xf32>, vector<256x128xf32> -> vector<256x128xf32>
    %add3A_233 = vector.broadcast %get3A_224 : vector<1x128xf32> to vector<256x128xf32>
    %add3A_234 = arith.addf %dot_general3A_232, %add3A_233 : vector<256x128xf32>
    %max3A_235 = arith.constant 0.000000e+00 : f32
    %max3A_236 = vector.broadcast %max3A_235 : f32 to vector<256x128xf32>
    %max3A_237 = arith.maximumf %add3A_234, %max3A_236 : vector<256x128xf32>
    %dot_general3A_238 = arith.constant dense<0.000000e+00> : vector<256x128xf32>
    %dot_general3A_239 = tpu.matmul %add3A_173, %get3A_221, %dot_general3A_238 {dimension_numbers = #tpu.dot_dimension_numbers<[1], [0], [0], [1], [0, 0, 1, 1], [], []>, transpose_lhs_hint = false} : vector<256x128xf32>, vector<128x128xf32>, vector<256x128xf32> -> vector<256x128xf32>
    %add3A_240 = vector.broadcast %get3A_224 : vector<1x128xf32> to vector<256x128xf32>
    %add3A_241 = arith.addf %dot_general3A_239, %add3A_240 : vector<256x128xf32>
    %max3A_242 = arith.constant 0.000000e+00 : f32
    %max3A_243 = vector.broadcast %max3A_242 : f32 to vector<256x128xf32>
    %max3A_244 = arith.maximumf %add3A_241, %max3A_243 : vector<256x128xf32>
    %dot_general3A_245 = arith.constant dense<0.000000e+00> : vector<256x128xf32>
    %dot_general3A_246 = tpu.matmul %add3A_178, %get3A_221, %dot_general3A_245 {dimension_numbers = #tpu.dot_dimension_numbers<[1], [0], [0], [1], [0, 0, 1, 1], [], []>, transpose_lhs_hint = false} : vector<256x128xf32>, vector<128x128xf32>, vector<256x128xf32> -> vector<256x128xf32>
    %add3A_247 = vector.broadcast %get3A_224 : vector<1x128xf32> to vector<256x128xf32>
    %add3A_248 = arith.addf %dot_general3A_246, %add3A_247 : vector<256x128xf32>
    %max3A_249 = arith.constant 0.000000e+00 : f32
    %max3A_250 = vector.broadcast %max3A_249 : f32 to vector<256x128xf32>
    %max3A_251 = arith.maximumf %add3A_248, %max3A_250 : vector<256x128xf32>
    %dot_general3A_252 = arith.constant dense<0.000000e+00> : vector<256x128xf32>
    %dot_general3A_253 = tpu.matmul %add3A_183, %get3A_221, %dot_general3A_252 {dimension_numbers = #tpu.dot_dimension_numbers<[1], [0], [0], [1], [0, 0, 1, 1], [], []>, transpose_lhs_hint = false} : vector<256x128xf32>, vector<128x128xf32>, vector<256x128xf32> -> vector<256x128xf32>
    %add3A_254 = vector.broadcast %get3A_224 : vector<1x128xf32> to vector<256x128xf32>
    %add3A_255 = arith.addf %dot_general3A_253, %add3A_254 : vector<256x128xf32>
    %max3A_256 = arith.constant 0.000000e+00 : f32
    %max3A_257 = vector.broadcast %max3A_256 : f32 to vector<256x128xf32>
    %max3A_258 = arith.maximumf %add3A_255, %max3A_257 : vector<256x128xf32>
    %dot_general3A_259 = arith.constant dense<0.000000e+00> : vector<256x128xf32>
    %dot_general3A_260 = tpu.matmul %add3A_188, %get3A_221, %dot_general3A_259 {dimension_numbers = #tpu.dot_dimension_numbers<[1], [0], [0], [1], [0, 0, 1, 1], [], []>, transpose_lhs_hint = false} : vector<256x128xf32>, vector<128x128xf32>, vector<256x128xf32> -> vector<256x128xf32>
    %add3A_261 = vector.broadcast %get3A_224 : vector<1x128xf32> to vector<256x128xf32>
    %add3A_262 = arith.addf %dot_general3A_260, %add3A_261 : vector<256x128xf32>
    %max3A_263 = arith.constant 0.000000e+00 : f32
    %max3A_264 = vector.broadcast %max3A_263 : f32 to vector<256x128xf32>
    %max3A_265 = arith.maximumf %add3A_262, %max3A_264 : vector<256x128xf32>
    %dot_general3A_266 = arith.constant dense<0.000000e+00> : vector<256x128xf32>
    %dot_general3A_267 = tpu.matmul %add3A_193, %get3A_221, %dot_general3A_266 {dimension_numbers = #tpu.dot_dimension_numbers<[1], [0], [0], [1], [0, 0, 1, 1], [], []>, transpose_lhs_hint = false} : vector<256x128xf32>, vector<128x128xf32>, vector<256x128xf32> -> vector<256x128xf32>
    %add3A_268 = vector.broadcast %get3A_224 : vector<1x128xf32> to vector<256x128xf32>
    %add3A_269 = arith.addf %dot_general3A_267, %add3A_268 : vector<256x128xf32>
    %max3A_270 = arith.constant 0.000000e+00 : f32
    %max3A_271 = vector.broadcast %max3A_270 : f32 to vector<256x128xf32>
    %max3A_272 = arith.maximumf %add3A_269, %max3A_271 : vector<256x128xf32>
    %dot_general3A_273 = arith.constant dense<0.000000e+00> : vector<256x128xf32>
    %dot_general3A_274 = tpu.matmul %add3A_198, %get3A_221, %dot_general3A_273 {dimension_numbers = #tpu.dot_dimension_numbers<[1], [0], [0], [1], [0, 0, 1, 1], [], []>, transpose_lhs_hint = false} : vector<256x128xf32>, vector<128x128xf32>, vector<256x128xf32> -> vector<256x128xf32>
    %add3A_275 = vector.broadcast %get3A_224 : vector<1x128xf32> to vector<256x128xf32>
    %add3A_276 = arith.addf %dot_general3A_274, %add3A_275 : vector<256x128xf32>
    %max3A_277 = arith.constant 0.000000e+00 : f32
    %max3A_278 = vector.broadcast %max3A_277 : f32 to vector<256x128xf32>
    %max3A_279 = arith.maximumf %add3A_276, %max3A_278 : vector<256x128xf32>
    %dot_general3A_280 = arith.constant dense<0.000000e+00> : vector<256x128xf32>
    %dot_general3A_281 = tpu.matmul %add3A_203, %get3A_221, %dot_general3A_280 {dimension_numbers = #tpu.dot_dimension_numbers<[1], [0], [0], [1], [0, 0, 1, 1], [], []>, transpose_lhs_hint = false} : vector<256x128xf32>, vector<128x128xf32>, vector<256x128xf32> -> vector<256x128xf32>
    %add3A_282 = vector.broadcast %get3A_224 : vector<1x128xf32> to vector<256x128xf32>
    %add3A_283 = arith.addf %dot_general3A_281, %add3A_282 : vector<256x128xf32>
    %max3A_284 = arith.constant 0.000000e+00 : f32
    %max3A_285 = vector.broadcast %max3A_284 : f32 to vector<256x128xf32>
    %max3A_286 = arith.maximumf %add3A_283, %max3A_285 : vector<256x128xf32>
    %dot_general3A_287 = arith.constant dense<0.000000e+00> : vector<256x128xf32>
    %dot_general3A_288 = tpu.matmul %add3A_208, %get3A_221, %dot_general3A_287 {dimension_numbers = #tpu.dot_dimension_numbers<[1], [0], [0], [1], [0, 0, 1, 1], [], []>, transpose_lhs_hint = false} : vector<256x128xf32>, vector<128x128xf32>, vector<256x128xf32> -> vector<256x128xf32>
    %add3A_289 = vector.broadcast %get3A_224 : vector<1x128xf32> to vector<256x128xf32>
    %add3A_290 = arith.addf %dot_general3A_288, %add3A_289 : vector<256x128xf32>
    %max3A_291 = arith.constant 0.000000e+00 : f32
    %max3A_292 = vector.broadcast %max3A_291 : f32 to vector<256x128xf32>
    %max3A_293 = arith.maximumf %add3A_290, %max3A_292 : vector<256x128xf32>
    %dot_general3A_294 = arith.constant dense<0.000000e+00> : vector<256x128xf32>
    %dot_general3A_295 = tpu.matmul %add3A_213, %get3A_221, %dot_general3A_294 {dimension_numbers = #tpu.dot_dimension_numbers<[1], [0], [0], [1], [0, 0, 1, 1], [], []>, transpose_lhs_hint = false} : vector<256x128xf32>, vector<128x128xf32>, vector<256x128xf32> -> vector<256x128xf32>
    %add3A_296 = vector.broadcast %get3A_224 : vector<1x128xf32> to vector<256x128xf32>
    %add3A_297 = arith.addf %dot_general3A_295, %add3A_296 : vector<256x128xf32>
    %max3A_298 = arith.constant 0.000000e+00 : f32
    %max3A_299 = vector.broadcast %max3A_298 : f32 to vector<256x128xf32>
    %max3A_300 = arith.maximumf %add3A_297, %max3A_299 : vector<256x128xf32>
    %dot_general3A_301 = arith.constant dense<0.000000e+00> : vector<256x128xf32>
    %dot_general3A_302 = tpu.matmul %add3A_218, %get3A_221, %dot_general3A_301 {dimension_numbers = #tpu.dot_dimension_numbers<[1], [0], [0], [1], [0, 0, 1, 1], [], []>, transpose_lhs_hint = false} : vector<256x128xf32>, vector<128x128xf32>, vector<256x128xf32> -> vector<256x128xf32>
    %add3A_303 = vector.broadcast %get3A_224 : vector<1x128xf32> to vector<256x128xf32>
    %add3A_304 = arith.addf %dot_general3A_302, %add3A_303 : vector<256x128xf32>
    %max3A_305 = arith.constant 0.000000e+00 : f32
    %max3A_306 = vector.broadcast %max3A_305 : f32 to vector<256x128xf32>
    %max3A_307 = arith.maximumf %add3A_304, %max3A_306 : vector<256x128xf32>
    %concatenate3A = tpu.concatenate %max3A_230, %max3A_237, %max3A_244, %max3A_251, %max3A_258, %max3A_265, %max3A_272, %max3A_279, %max3A_286, %max3A_293, %max3A_300, %max3A_307 in 1 : vector<256x128xf32>, vector<256x128xf32>, vector<256x128xf32>, vector<256x128xf32>, vector<256x128xf32>, vector<256x128xf32>, vector<256x128xf32>, vector<256x128xf32>, vector<256x128xf32>, vector<256x128xf32>, vector<256x128xf32>, vector<256x128xf32> -> vector<256x1536xf32>
    %swap3A_308 = arith.constant 0 : index
    %swap3A_309 = arith.constant 0 : index
    %swap3A_310 = vector.load %arg6[%swap3A_308, %swap3A_309] : memref<256x1536xf32, #tpu.memory_space<vmem>>, vector<256x1536xf32>
    tpu.vector_store %arg6[%swap3A_308, %swap3A_309], %concatenate3A {strides = array<i32>} : memref<256x1536xf32, #tpu.memory_space<vmem>>, vector<256x1536xf32>,
    return
  }
  func.func @transform_0(%arg0: i32) -> (i32, i32) {
    %c0_i32 = arith.constant 0 : i32
    %c0_i32_0 = arith.constant 0 : i32
    return %arg0, %c0_i32 : i32, i32
  }
  func.func @transform_1(%arg0: i32) -> (i32, i32) {
    %c0_i32 = arith.constant 0 : i32
    %c0_i32_0 = arith.constant 0 : i32
    %c0_i32_1 = arith.constant 0 : i32
    return %c0_i32, %c0_i32_0 : i32, i32
  }
  func.func @transform_2(%arg0: i32) -> (i32, i32) {
    %c0_i32 = arith.constant 0 : i32
    %c0_i32_0 = arith.constant 0 : i32
    %c0_i32_1 = arith.constant 0 : i32
    return %c0_i32, %c0_i32_0 : i32, i32
  }
  func.func @transform_3(%arg0: i32) -> (i32, i32) {
    %c0_i32 = arith.constant 0 : i32
    %c0_i32_0 = arith.constant 0 : i32
    %c0_i32_1 = arith.constant 0 : i32
    return %c0_i32, %c0_i32_0 : i32, i32
  }
  func.func @transform_4(%arg0: i32) -> (i32, i32) {
    %c0_i32 = arith.constant 0 : i32
    %c0_i32_0 = arith.constant 0 : i32
    %c0_i32_1 = arith.constant 0 : i32
    return %c0_i32, %c0_i32_0 : i32, i32
  }
  func.func @transform_5(%arg0: i32) -> (i32, i32) {
    %c0_i32 = arith.constant 0 : i32
    %c0_i32_0 = arith.constant 0 : i32
    return %arg0, %c0_i32 : i32, i32
  }
  func.func @transform_6(%arg0: i32) -> (i32, i32) {
    %c0_i32 = arith.constant 0 : i32
    %c0_i32_0 = arith.constant 0 : i32
    return %arg0, %c0_i32 : i32, i32
  }
}

</mosaic_0001>

<sc_bundles>
// kernel: sparse-core-data-format-call.cloned.1.call-start
scs
called_computation_lowered:
.L_overlay_start_0:
0x0: {  	s2 =	sld [smem:$0x3FD9]  }
0x1: {  	s3 =	sld [smem:$0x3FFE];
	_ =	sdelay $0x1  }
0x2: {  	s1 =	srdreg.scid  }
0x3: {  	s0 =	sand.u32 $0x1, s1  }
0x4: {  	s15 =	sshll.u32 s0, $0xA;
	s2 =	sadd.s32 s3, s2  }
0x5: {  	s2 =	sadd.s32 s2, s15  }
0x6: {  	[smem:$0x3FC2] =	sst s2  }
0x7: {  	_ = 	snop  }
0x8: {  	s2 =	sld [smem:$0x3FD0];
	_ =	sdelay $0x2  }
0x9: {  	s16 =	simm.s32 $0xA;
	s4 =	simm.s32 $0x10  }
0xa: {  	[smem:s4], [sflag:s16] =	dma.local [hbm:s2], $0x1  }
0xb: {  	_ =	swait.eq [sflag:s16], $0x1  }
0xc: {  	[sflag:s16] =	ssyncset.done $0x0  }
0xd: {  	[sflag:s16] =	ssyncadd.s32 $0xFFFFFFFF  }
0xe: {  	s17 =	sld [smem:$0x10];
	(tm) =	ssettm $0x1  }
0xf: {  	s18 =	sld [smem:$0x3FFB];
	_ =	sdelay $0x3  }
0x10: {  	_ =	strace s18  }
0x11: {  	s3 =	sld [smem:$0x3FFC];
	_ =	sdelay $0x3  }
0x12: {  	_ =	strace s3  }
0x13: {  	s3 =	sld [smem:$0x3FFD];
	_ =	sdelay $0x3  }
0x14: {  	_ =	strace s3  }
0x15: {  	_ =	strace $0x8FFFFFFF  }
0x16: {  	s19 =	sld [smem:$0x3FDB];
	_ =	sdelay $0x1  }
0x17: {  	s20 =	simm.s32 $_scs_section_size  }
0x18: {  	s5 =	simm.s32 $_size__tile_overlayer_lowered;
	s6 =	simm.s32 $_tile_overlayer_lowered  }
0x19: {  	s23 =	simm.s32 $0x1BFF;
	s22 =	sshll.u32 s6, $0x1;
	s3 =	sadd.s32 s20, s19  }
0x1a: {  	s7 =	simm.s32 $0x0;
	s21 =	sshll.u32 s5, $0x1;
	s5 =	sadd.s32 s22, s3  }
0x1b: {  	[timem:s7], [sflag:s23] =	dma.local [hbm:s5], s21  }
0x1c: {  	_ =	swait.ge [sflag:s23], s21  }
0x1d: {  	s4 =	ssub.s32 $0x0, s21;
	[sflag:s23] =	ssyncset.done $0x0  }
0x1e: {  	[sflag:s23] =	ssyncadd.s32 s4;
	_ =	sdelay $0x1  }
0x1f: {  	s24 =	simm.s32 $0x1B8B  }
0x20: {  	_ =	swait.ge [sflag:s24], $0x1  }
0x21: {  	[sflag:s24] =	ssyncset.done $0x0  }
0x22: {  	s26 =	simm.s32 $0x1B8E;
	s25 =	sld [smem:$0x3FFE];
	[sflag:s24] =	ssyncadd.s32 $0xFFFFFFFF  }
0x23: {  	s27 =	simm.s32 $execute0_lowered;
	[smem:$0x3FD2] =	sst s26  }
0x24: {  	s5 =	sshll.u32 s27, $0x1;
	_ =	strace $0x80000046;
	[dreg:$0x1] =	wrdreg $0xFFFFFFFF  }
0x25: {  	s28 =	simm.s32 $_size_execute0_lowered;
	s3 =	sadd.s32 s3, s5;
	[dreg:$0x0] =	wrdreg $0x0  }
0x26: {  	s5 =	sshll.u32 s28, $0x1;
	[dreg:$0x2] =	wrdreg s3  }
0x27: {  	[dreg:$0x3] =	wrdreg s5  }
0x28: {  	[dreg:$0x4] =	wrdreg $0xC0  }
0x29: {  	_ =	task [dreg:s7], $0x5FFFF  }
0x2a: {  	[dreg:$0x1] =	wrdreg $0xFFFFFFFF  }
0x2b: {  	[dreg:$0x0] =	wrdreg $0x60  }
0x2c: {  	[dreg:$0x2] =	wrdreg s25  }
0x2d: {  	[dreg:$0x3] =	wrdreg s17  }
0x2e: {  	[dreg:$0x4] =	wrdreg $0x9  }
0x2f: {  	_ =	task.clear_ibuf [dreg:s7], $0x5FFFF;
	_ =	strace $0x90000046  }
0x30: {  	s29 =	simm.s32 $0x9;
	_ =	strace $0x80000048  }
0x31: {  	_ =	swait.ge [sflag:s29], $0x1  }
0x32: {  	[sflag:s29] =	ssyncadd.s32 $0xFFFFFFFF  }
0x33: {  	_ =	strace $0x90000048  }
0x34: {  	_ =	sfence  }
0x35: {  	s30 =	sld [smem:$0x0];
	_ =	sdelay $0x2  }
0x36: {  	s31 =	sshll.u32 s1, $0xD;
	s1 =	sshrl.u32 s1, $0x2  }
0x37: {  	s3 =	sand.u32 $0x4000, s31;
	s1 =	sadd.s32 s1, s30  }
0x38: {  	s0 =	sor.u32 s3, s0;
	s1 =	sshll.u32 s1, $0x11  }
0x39: {  	s0 =	sor.u32 s1, s0  }
0x3a: {  	s0 =	sadd.s32 $0x8F2B, s0  }
0x3b: {  	[sflag:s0] =	ssyncadd.remote.s32 $0x1  }
0x3c: {  	_ =	sfence.sel $0xFFFF  }
0x3d: {  	[dreg:$0x0] =	wrdreg $0xFFFFFFFF;
	(pc) =	sbr.abs _section_cstart, $3  }
0x3e: {  	[dreg:$0x1] =	wrdreg $0xFFFFFFFF  }
0x3f: {  	_ =	task.clear_ibuf [dreg:s7], $0x2FFFF;
	_ =	strace $0x9FFFFFFF  }
0x40: {  	(tm) =	ssettm $0x7FFFFFFF  }
0x41: {  	_ =	shalt  }
tec
execute0_lowered:
.L_overlay_start_1:
0x0: {  	(tag) =	ssettag $0x1  }
0x1: {  	s0 =	srdreg.scid  }
0x2: {  	s1 =	sshll.u32 s0, $0x4  }
0x3: {  	s0 =	stileid.u32;
	s1 =	sand.u32 $0x10, s1  }
0x4: {  	s6 =	rddreg [dreg:$0x0];
	s1 =	sor.u32 s0, s1  }
0x5: {  	s4 =	simm.s32 $0x1;
	s7 =	simm.s32 $0x2;
	s2 =	sshll.u32 s1, $0x7  }
0x6: {  	s14 =	simm.s32 $0x0;
	s12 =	simm.s32 $0x0;
	s1 =	ssub.s32 $0x4000, s2  }
0x7: {  	s13 =	simm.s32 $0x0;
	s9 =	simm.s32 $0x0;
	s3 =	sand.u32 $0xF80, s1  }
0x8: {  	s10 =	simm.s32 $0x0;
	s5 =	sshrl.u32 s1, $0xC;
	p0 =	sne.s32 s3, $0x0  }
.Ltmp0:
0x9: {  	s1 =	rddreg [dreg:$0x2];
	s4 =	simm.s32 @!p0 $0x0;
	(pc) =	sbr.rel .LBB1_1-.Ltmp0, $4  }
0xa: {  	s11 =	simm.s32 $0x0;
	s3 =	rddreg [dreg:$0x1];
	s5 =	sadd.s32 s4, s5  }
0xb: {  	_ =	strace $0x80000047;
	s4 =	simm.s32 $0x1;
	s5 =	smul.u32 $0xC, s5  }
0xc: {  	s6 =	sadd.s32 $0x41400, s6;
	s8 =	smov.u32 s2;
	[sflag:s4] =	ssyncpa.u1 $0x0  }
0xd: {  	p0 =	por $0x0, $0x0;
	[sflag:s7] =	ssyncpa.u1 $0x0;
	s7 =	sor.u32 $0x1, s5  }
.LBB1_4:
0xe: {  	v5 =	vld [tilespmem:s18+$0xFFFFFFD0];
	[tilespmem:s17+$0x2040 ss:$0x81] =	vst.msk $0xffff, v1  }
0xf: {  	v58 =	vld [tilespmem:s18+$0xFFFFFFE0];
	[tilespmem:s17+$0x2850 ss:$0x81] =	vst.msk $0xffff, v2  }
0x10: {  	s19 =	sshra.s32 s19, $0x2;
	v59 =	vld [tilespmem:s18+$0xFFFFFFF0];
	[tilespmem:s17+$0x3060 ss:$0x81] =	vst.msk $0xffff, v3  }
0x11: {  	v60 =	vld [tilespmem:s18+$0x0];
	[tilespmem:s17+$0x0 ss:$0x81] =	vst.msk $0xffff, v0;
	s16 =	sadd.s32 s19, s16  }
0x12: {  	v61 =	vld [tilespmem:s18+$0x10];
	[tilespmem:s16+$0x3870 ss:$0x81] =	vst.msk $0xffff, v4  }
0x13: {  	v62 =	vld [tilespmem:s18+$0x20];
	s14 =	sshll.u32 s14, $0x7;
	s28 =	sshll.u32 s12, $0x3;
	[tilespmem:s16+$0x810 ss:$0x81] =	vst.msk $0xffff, v5  }
0x14: {  	v63 =	vld [tilespmem:s18+$0xFFFFFFC0];
	s29 =	sand.u32 $0x1FFC00, s14;
	s17 =	sand.u32 $0x1FFC00, s28;
	[tilespmem:s16+$0x1020 ss:$0x81] =	vst.msk $0xffff, v58  }
0x15: {  	s14 =	sand.u32 $0x380, s14;
	s17 =	sadd.s32 s17, s29;
	[tilespmem:s16+$0x1830 ss:$0x81] =	vst.msk $0xffff, v59  }
0x16: {  	s13 =	sshll.u32 s13, $0x12;
	s30 =	sshrl.u32 s12, $0x3;
	s14 =	sor.u32 s14, s17;
	[tilespmem:s16+$0x2040 ss:$0x81] =	vst.msk $0xffff, v60  }
0x17: {  	s13 =	sadd.s32 s3, s13;
	s17 =	sand.u32 $0xF, s30;
	s14 =	sshrl.u32 s14, $0x3;
	[tilespmem:s16+$0x2850 ss:$0x81] =	vst.msk $0xffff, v61  }
0x18: {  	s13 =	sadd.s32 s17, s13;
	[tilespmem:s16+$0x3060 ss:$0x81] =	vst.msk $0xffff, v62;
	s14 =	sand.u32 $0x3FFF0, s14  }
0x19: {  	s31 =	sand.u32 $0x7, s12;
	[tilespmem:s16+$0x0 ss:$0x81] =	vst.msk $0xffff, v63;
	s13 =	sadd.s32 s14, s13  }
0x1a: {  	[hbm4b:s13+s31] =	stream.linear.scatter [tilespmem:s15], [sflag:$0x2], $0x4000, $0x20;
	[tilespmem:$0x10100] =	vst v63  }
.LBB1_5:
0x1b: {  	s15 =	sadd.s32 $0x1000, s8  }
0x1c: {  	s12 =	sadd.s32 $0x80, s9;
	s16 =	smov.u32 s9;
	p2 =	sgt.s32 s15, $0x3FFF  }
0x1d: {  	s16 =	smov.u32 @p2 s12  }
0x1e: {  	s12 =	simm.s32 $0x1;
	p3 =	sgt.s32 s16, $0x7F  }
0x1f: {  	s12 =	simm.s32 @!p3 $0x0  }
0x20: {  	s18 =	sadd.s32 s12, s10  }
0x21: {  	s15 =	smov.u32 @p2 s2;
	p2 =	sgt.s32 s18, $0xB  }
0x22: {  	p1 =	slt.u32 s11, $0x2;
	s18 =	simm.s32 @p2 $0x0;
	p2 =	sne.s32 s11, s7  }
.Ltmp1:
0x23: {  	s17 =	simm.s32 @!p1 $0x2;
	(pc) =	sbr.rel @!p2 .LBB1_6-.Ltmp1, $4  }
0x24: {  	s14 =	smov.u32 s8;
	s13 =	smov.u32 s10;
	_ =	swait.ge @!p1 [sflag:s17], $0x4000  }
0x25: {  	p0 =	por !p0, !p0;
	[sflag:s17] =	ssyncset.done @!p1 $0x0;
	s8 =	smov.u32 s15  }
0x26: {  	s16 =	simm.s32 @p3 $0x0;
	[sflag:s17] =	ssyncadd.s32 @!p1 $0xFFFFC000;
	s12 =	smov.u32 s9  }
0x27: {  	s9 =	smov.u32 s16;
	s11 =	sadd.s32 $0x1, s11;
	s10 =	smov.u32 s18  }
.LBB1_1:
0x28: {  	p1 =	sge.u32 s11, s5;
	s31 =	sadd.s32 $0xFFFFFFFF, s11  }
0x29: {  	s15 =	sxor.u32 @!p1 $0xFFFFFFFF, s11;
	s16 =	sand.u32 @!p1 $0x78, s8;
	s17 =	sshll.u32 @!p1 s9, $0xE  }
0x2a: {  	s18 =	sshll.u32 @!p1 s9, $0x7;
	s19 =	sshll.u32 @!p1 s8, $0x3;
	s15 =	sshll.u32 @!p1 s15, $0xE  }
0x2b: {  	s17 =	sand.u32 @!p1 $0x1E0000, s17;
	s18 =	sand.u32 @!p1 $0x380, s18;
	s15 =	sand.u32 @!p1 $0x4000, s15  }
0x2c: {  	s17 =	sadd.s32 @!p1 s17, s19;
	s19 =	sand.u32 @!p1 $0x3C00, s19;
	s16 =	sor.u32 @!p1 s18, s16  }
0x2d: {  	s18 =	sshll.u32 @!p1 s10, $0x12;
	s16 =	sor.u32 @!p1 s19, s16;
	s17 =	sshrl.u32 @!p1 s17, $0x3  }
0x2e: {  	s18 =	sadd.s32 @!p1 s6, s18;
	s19 =	sand.u32 @!p1 $0x7, s8;
	s17 =	sand.u32 @!p1 $0x3F800, s17  }
0x2f: {  	s16 =	sshrl.u32 @!p1 s16, $0x3;
	s17 =	sadd.s32 @!p1 s17, s18;
	s18 =	sshll.u32 @!p1 s19, $0x12  }
0x30: {  	s16 =	sadd.s32 @!p1 s16, s17;
	s17 =	sor.u32 @!p1 $0x400, s18;
	s18 =	simm.s32 @!p1 $0x20000  }
0x31: {  	[tilespmem:s15], [sflag:$0x1] =	stream.strided.gather @!p1 [hbm4b:s16+s17], $0x4000, s18, s17, $0x38;
	[tilespmem:$0x10100] =	vst v63  }
0x32: {  	p1 =	sge.u32 s31, s5  }
.Ltmp2:
0x33: {  	_ = 	snop;
	(pc) =	sbr.rel @p1 .LBB1_5-.Ltmp2, $1  }
0x34: {  	_ =	sdelay $0x3  }
0x35: {  	s15 =	simm.s32 $0x1  }
0x36: {  	_ =	swait.ge [sflag:s4], $0x4000;
	s15 =	simm.s32 @!p0 $0x0  }
0x37: {  	[sflag:s4] =	ssyncset.done $0x0;
	s16 =	sshll.u32 s15, $0xE  }
0x38: {  	[sflag:s4] =	ssyncadd.s32 $0xFFFFC000;
	s18 =	sor.u32 $0x40, s16  }
0x39: {  	s15 =	smul.u32 $0x10200, s15;
	v0 =	vld [tilespmem:s18+$0x30]  }
0x3a: {  	v3 =	vld [tilespmem:s18+$0xFFFFFFD0]  }
0x3b: {  	s15 =	sshrl.u32 s15, $0x2;
	v4 =	vld [tilespmem:s18+$0xFFFFFFE0]  }
0x3c: {  	v5 =	vld [tilespmem:s18+$0xFFFFFFF0];
	s16 =	sor.u32 $0x8000, s15  }
0x3d: {  	s31 =	sand.u32 $0x1, s11;
	v1 =	vld [tilespmem:s18+$0x0];
	s17 =	sadd.s32 $0x0, s16  }
0x3e: {  	v2 =	vld [tilespmem:s18+$0x10];
	s15 =	smul.u32 $0x10200, s31;
	[tilespmem:s17+$0x3870 ss:$0x81] =	vst.msk $0xffff, v0  }
0x3f: {  	[tilespmem:s17+$0x810 ss:$0x81] =	vst.msk $0xffff, v3;
	v3 =	vld [tilespmem:s18+$0x20]  }
0x40: {  	s15 =	sshrl.u32 s15, $0x2;
	v0 =	vld [tilespmem:s18+$0xFFFFFFC0];
	[tilespmem:s17+$0x1020 ss:$0x81] =	vst.msk $0xffff, v4;
	s18 =	sadd.s32 $0x80, s18  }
0x41: {  	s19 =	simm.s32 $0x4;
	s20 =	simm.s32 $0x8;
	s15 =	sor.u32 $0x8000, s15;
	[tilespmem:s17+$0x1830 ss:$0x81] =	vst.msk $0xffff, v5;
	v4 =	vld [tilespmem:s18+$0x30]  }
.LBB1_3:
0x42: {  	p1 =	sne.s32 s20, $0x1FC;
	v5 =	vld [tilespmem:s18+$0xFFFFFFD0];
	[tilespmem:s17+$0x2040 ss:$0x81] =	vst.msk $0xffff, v1  }
0x43: {  	v6 =	vld [tilespmem:s18+$0xFFFFFFE0];
	[tilespmem:s17+$0x2850 ss:$0x81] =	vst.msk $0xffff, v2  }
0x44: {  	s21 =	sshra.s32 s19, $0x2;
	s19 =	smov.u32 s20;
	v7 =	vld [tilespmem:s18+$0xFFFFFFF0];
	[tilespmem:s17+$0x3060 ss:$0x81] =	vst.msk $0xffff, v3  }
.Ltmp3:
0x45: {  	v1 =	vld [tilespmem:s18+$0x0];
	[tilespmem:s17+$0x0 ss:$0x81] =	vst.msk $0xffff, v0;
	s17 =	sadd.s32 s21, s16;
	(pc) =	sbr.rel @p1 .LBB1_3-.Ltmp3, $4  }
0x46: {  	v2 =	vld [tilespmem:s18+$0x10];
	[tilespmem:s17+$0x3870 ss:$0x81] =	vst.msk $0xffff, v4  }
0x47: {  	[tilespmem:s17+$0x810 ss:$0x81] =	vst.msk $0xffff, v5;
	v3 =	vld [tilespmem:s18+$0x20]  }
0x48: {  	v0 =	vld [tilespmem:s18+$0xFFFFFFC0];
	[tilespmem:s17+$0x1020 ss:$0x81] =	vst.msk $0xffff, v6;
	s18 =	sadd.s32 $0x80, s18  }
0x49: {  	s20 =	sadd.s32 $0x4, s20;
	v4 =	vld [tilespmem:s18+$0x30];
	[tilespmem:s17+$0x1830 ss:$0x81] =	vst.msk $0xffff, v7  }
.Ltmp4:
0x4a: {  	_ = 	snop;
	(pc) =	sbr.rel .LBB1_4-.Ltmp4, $1  }
0x4b: {  	_ =	sdelay $0x3  }
.LBB1_6:
0x4c: {  	_ =	sfence.sel $0x180000  }
0x4d: {  	s2 =	simm.s32 $0x1;
	[bflag:$0x0] =	sbarrier.arrive $0xFFFF  }
0x4e: {  	s31 =	simm.s32 $0x2;
	[sflag:s2] =	ssyncpa.u1 $0x1  }
0x4f: {  	[sflag:s31] =	ssyncpa.u1 $0x1  }
0x50: {  	p0 =	sne.s32 s0, $0x0;
	_ =	strace $0x90000047  }
0x51: {  	s0 =	sadd.s32 @!p0 $0x100000, s1;
	[bflag:$0x2] =	sbarrier.arrive $0xFFFF  }
0x52: {  	[sflag:s0] =	ssyncadd.tile.s32 @!p0 $0x1;
	_ =	shalt  }
.Lfunc_end1:
_tile_overlayer_lowered:
.L_overlay_start_2:
0x53: {  	(tag) =	ssettag $0x2  }
0x54: {  	s0 =	rddreg [dreg:$0x0];
	s2 =	stileid.u32  }
0x55: {  	s1 =	rddreg [dreg:$0x1];
	p0 =	sne.s32 s2, $0x0  }
0x56: {  	s3 =	rddreg [dreg:$0x2];
	[bflag:$0x3] =	sbarrier.arrive $0xFFFF;
	s2 =	simm.s32 @!p0 $0x1C01  }
0x57: {  	[timem:s3], [sflag:s2] =	dma.local @!p0 [hbm:s0], s1  }
0x58: {  	s0 =	simm.s32 @!p0 $0x1  }
0x59: {  	_ =	swait.ge @!p0 [sflag:s0], s1  }
0x5a: {  	s1 =	ssub.s32 @!p0 $0x0, s1;
	[sflag:s0] =	ssyncset.done @!p0 $0x0  }
0x5b: {  	[sflag:s0] =	ssyncadd.s32 @!p0 s1  }
0x5c: {  	[bflag:$0x3] =	sbarrier.arrive $0xFFFF  }
0x5d: {  	_ =	shalt  }

</sc_bundles>
